<compile_context>
chip_gen: v7x
topology: tpu7x:2x2x1
jax: 0.10.2.dev20260603
libtpu: 0.0.44.dev20260713+nightly
codegen_flags: <defaults>
</compile_context>

<pallas_src>
import functools

import jax
import jax.numpy as jnp
from jax import lax
from jax.experimental import pallas as pl
from jax.experimental.pallas import tpu as pltpu
from jax.experimental.pallas import tpu_sc as plsc

_K = 512
_D = 32


def _dist_argmin_body(zr_ref, wt_ref, idx_ref):
    n = zr_ref.shape[0]
    acc = None
    for c in range(4):
        y = []
        for s in range(8):
            d = 8 * c + s
            diff = zr_ref[:, d:d + 1] - wt_ref[d:d + 1, :]
            y.append(diff * diff)
        u0 = y[4] + y[0]
        u1 = y[5] + y[1]
        u2 = y[6] + y[2]
        u3 = y[7] + y[3]
        t = (u3 + u1) + (u2 + u0)
        acc = t if acc is None else acc + t
    dist = jnp.sqrt(acc)
    minv = jnp.min(dist, axis=1, keepdims=True)
    ids = lax.broadcasted_iota(jnp.int32, (n, _K), 1)
    idx_ref[...] = jnp.min(jnp.where(dist == minv, ids, _K), axis=1,
                           keepdims=True)


def _tc_argmin(zr, wt):
    n = zr.shape[0]
    nb = 512
    return pl.pallas_call(
        _dist_argmin_body,
        grid=(n // nb,),
        in_specs=[
            pl.BlockSpec((nb, _D), lambda i: (i, 0)),
            pl.BlockSpec((_D, _K), lambda i: (0, 0)),
        ],
        out_specs=pl.BlockSpec((nb, 1), lambda i: (i, 0)),
        out_shape=jax.ShapeDtypeStruct((n, 1), jnp.int32),
        compiler_params=pltpu.CompilerParams(
            dimension_semantics=("arbitrary",),
            allow_input_fusion=(True, True)),
    )(zr, wt)


def _sc_gather(table, idx):
    info = plsc.get_sparse_core_info()
    nc, ns = info.num_cores, info.num_subcores
    nw = nc * ns
    b = idx.shape[0]
    b_per_w = b // nw
    mesh = plsc.VectorSubcoreMesh(core_axis_name="c", subcore_axis_name="s")

    @functools.partial(
        pl.kernel, mesh=mesh,
        compiler_params=pltpu.CompilerParams(use_tc_tiling_on_sc=False),
        out_type=jax.ShapeDtypeStruct((b, _D), jnp.float32),
        scratch_types=[
            pltpu.VMEM((b_per_w,), jnp.int32),
            pltpu.VMEM((b_per_w, _D), jnp.float32),
            pltpu.SemaphoreType.DMA,
        ],
    )
    def k(table_hbm, idx_hbm, out_hbm, idx_v, rows_v, sem):
        wid = lax.axis_index("s") * nc + lax.axis_index("c")
        base = wid * b_per_w
        pltpu.sync_copy(idx_hbm.at[pl.ds(base, b_per_w)], idx_v)
        pltpu.async_copy(table_hbm.at[idx_v], rows_v, sem).wait()
        pltpu.sync_copy(rows_v, out_hbm.at[pl.ds(base, b_per_w)])

    return k(table, idx)


def kernel(z, W):
    bs, cdim, t, h, w = z.shape
    zr = jnp.transpose(z, (0, 2, 3, 4, 1)).reshape(-1, cdim)
    idx = _tc_argmin(zr, W.T).reshape(-1)
    q_r = _sc_gather(W, idx)
    quantized = jnp.transpose(q_r.reshape(bs, t, h, w, cdim), (0, 4, 1, 2, 3))
    straight_through = z + lax.stop_gradient(quantized - z)
    encoding_indices = idx.reshape(bs, t, h, w)
    return (quantized, straight_through, encoding_indices)

# --- scband reference (transcript-rebuilt; emitter-appended) ---
"""Pipeline reference for scband-code-book-29437705846896 (READ-ONLY COPY).

The authoritative reference and input builder live on the scoring server;
editing this copy changes nothing except your own understanding.
"""

import jax, jax.numpy as jnp
import numpy as np


def setup_inputs(seed: int = 0) -> dict:
    key = jax.random.key(seed)
    k1, k2 = jax.random.split(key)
    size = 512
    code_dim = 32
    z = jax.random.normal(k1, (2, code_dim, 8, 16, 16), dtype=jnp.float32)
    W = jax.random.uniform(k2, (size, code_dim), minval=-1.0 / size, maxval=1.0 / size, dtype=jnp.float32)
    return {"z": z, "W": W}


def reference(z, W):
    bs, latent_dim, t, h, w = z.shape
    # z.permute(0,2,3,4,1).reshape(-1, latent_dim)
    z_reshaped = jnp.transpose(z, (0, 2, 3, 4, 1)).reshape(-1, latent_dim)
    # embedding.weight.unsqueeze(1) - z_reshaped -> [K, N, code_dim]
    dif_vecs = W[:, None, :] - z_reshaped[None, :, :]
    dif_norms = jnp.linalg.norm(dif_vecs, axis=-1)  # [K, N]
    dif_norms = jnp.transpose(dif_norms.reshape(-1, bs, t, h, w), (1, 2, 3, 4, 0))  # [bs,t,h,w,K]
    encoding_indices = jnp.argmin(dif_norms, axis=-1)  # [bs,t,h,w]
    quantized = jnp.transpose(W[encoding_indices], (0, 4, 1, 2, 3))  # [bs,code_dim,t,h,w]
    straight_through = z + jax.lax.stop_gradient(quantized - z)
    return (quantized, straight_through, encoding_indices)

if __name__ == "__main__":
    import jax
    _d = setup_inputs()
    print(jax.jit(kernel)(*tuple(_d.values())))

</pallas_src>

<mosaic_0001>
#map = affine_map<(d0, d1) -> (0, 0)>
#map1 = affine_map<(d0, d1) -> (0)>
module attributes {stable_mosaic.version = 14 : i64} {
  func.func @k(%arg0: i32, %arg1: i32, %arg2: memref<512x32xf32, #tpu.memory_space<hbm>>, %arg3: memref<4096xi32, #tpu.memory_space<hbm>>, %arg4: memref<4096x32xf32, #tpu.memory_space<hbm>>, %arg5: memref<128xi32, #tpu.memory_space<vmem>>, %arg6: memref<128x32xf32, #tpu.memory_space<vmem>>, %arg7: memref<!tpu.dma_semaphore, #tpu.memory_space<semaphore_mem>>) attributes {dimension_semantics = [#tpu.dimension_semantics<core_parallel>, #tpu.dimension_semantics<subcore_parallel>], iteration_bounds = array<i64: 2, 16>, scalar_prefetch = 0 : i64, scratch_operands = 3 : i64, tpu.core_type = #tpu.core_type<sc_vector_subcore>, window_params = [{transform_indices = #map}, {transform_indices = #map1}, {transform_indices = #map}]} {
    %mul3A = arith.constant 2 : i32
    %mul3A_0 = arith.muli %arg1, %mul3A : i32
    %add3A = arith.addi %mul3A_0, %arg0 : i32
    %mul3A_1 = arith.constant 128 : i32
    %mul3A_2 = arith.muli %add3A, %mul3A_1 : i32
    "tpu.region"() ({
      %run_scoped3A = tpu.sem_alloc : memref<!tpu.dma_semaphore, #tpu.memory_space<semaphore_mem>>
      %dma_start3A_7 = tpu.memref_slice %arg3[%mul3A_2] : memref<4096xi32, #tpu.memory_space<hbm>> -> memref<128xi32, #tpu.memory_space<hbm>>
      %dma_start3A_8 = tpu.memref_slice %arg3[%mul3A_2] : memref<4096xi32, #tpu.memory_space<hbm>> -> memref<128xi32, #tpu.memory_space<hbm>>
      tpu.enqueue_dma source(%dma_start3A_8 : memref<128xi32, #tpu.memory_space<hbm>>) target(%arg5 : memref<128xi32, #tpu.memory_space<vmem>>) target_semaphore(%run_scoped3A : memref<!tpu.dma_semaphore, #tpu.memory_space<semaphore_mem>>)
      %dma_wait3A_9 = tpu.memref_slice %arg3[%mul3A_2] : memref<4096xi32, #tpu.memory_space<hbm>> -> memref<128xi32, #tpu.memory_space<hbm>>
      %dma_wait3A_10 = tpu.memref_slice %arg3[%mul3A_2] : memref<4096xi32, #tpu.memory_space<hbm>> -> memref<128xi32, #tpu.memory_space<hbm>>
      tpu.wait_dma2 semaphore(%run_scoped3A : memref<!tpu.dma_semaphore, #tpu.memory_space<semaphore_mem>>) src(%dma_wait3A_10 : memref<128xi32, #tpu.memory_space<hbm>>) dst(%arg5 : memref<128xi32, #tpu.memory_space<vmem>>)
      tpu.yield
    }) : () -> ()
    %dma_start3A = arith.constant 0 : i32
    %dma_start3A_3 = arith.constant 0 : i32
    %dma_start3A_4 = tpu.memref_slice %arg2[%dma_start3A, %dma_start3A_3] : memref<512x32xf32, #tpu.memory_space<hbm>> -> memref<512x32xf32, #tpu.memory_space<hbm>>
    tpu.enqueue_indirect_dma source(%dma_start3A_4 : memref<512x32xf32, #tpu.memory_space<hbm>>) target(%arg6 : memref<128x32xf32, #tpu.memory_space<vmem>>) offsets(%arg5 : memref<128xi32, #tpu.memory_space<vmem>>) semaphore(%arg7 : memref<!tpu.dma_semaphore, #tpu.memory_space<semaphore_mem>>)
    %dma_wait3A = arith.constant 0 : i32
    %dma_wait3A_5 = arith.constant 0 : i32
    %dma_wait3A_6 = tpu.memref_slice %arg2[%dma_wait3A, %dma_wait3A_5] : memref<512x32xf32, #tpu.memory_space<hbm>> -> memref<512x32xf32, #tpu.memory_space<hbm>>
    tpu.wait_indirect_dma semaphore(%arg7 : memref<!tpu.dma_semaphore, #tpu.memory_space<semaphore_mem>>) src(%dma_wait3A_6 : memref<512x32xf32, #tpu.memory_space<hbm>>) dst(%arg6 : memref<128x32xf32, #tpu.memory_space<vmem>>)
    "tpu.region"() ({
      %run_scoped3A = tpu.sem_alloc : memref<!tpu.dma_semaphore, #tpu.memory_space<semaphore_mem>>
      %dma_start3A_7 = arith.constant 0 : i32
      %dma_start3A_8 = tpu.memref_slice %arg4[%mul3A_2, %dma_start3A_7] : memref<4096x32xf32, #tpu.memory_space<hbm>> -> memref<128x32xf32, #tpu.memory_space<hbm>>
      %dma_start3A_9 = arith.constant 0 : i32
      %dma_start3A_10 = tpu.memref_slice %arg4[%mul3A_2, %dma_start3A_9] : memref<4096x32xf32, #tpu.memory_space<hbm>> -> memref<128x32xf32, #tpu.memory_space<hbm>>
      tpu.enqueue_dma source(%arg6 : memref<128x32xf32, #tpu.memory_space<vmem>>) target(%dma_start3A_10 : memref<128x32xf32, #tpu.memory_space<hbm>>) target_semaphore(%run_scoped3A : memref<!tpu.dma_semaphore, #tpu.memory_space<semaphore_mem>>)
      %dma_wait3A_11 = arith.constant 0 : i32
      %dma_wait3A_12 = tpu.memref_slice %arg4[%mul3A_2, %dma_wait3A_11] : memref<4096x32xf32, #tpu.memory_space<hbm>> -> memref<128x32xf32, #tpu.memory_space<hbm>>
      %dma_wait3A_13 = arith.constant 0 : i32
      %dma_wait3A_14 = tpu.memref_slice %arg4[%mul3A_2, %dma_wait3A_13] : memref<4096x32xf32, #tpu.memory_space<hbm>> -> memref<128x32xf32, #tpu.memory_space<hbm>>
      tpu.wait_dma2 semaphore(%run_scoped3A : memref<!tpu.dma_semaphore, #tpu.memory_space<semaphore_mem>>) src(%arg6 : memref<128x32xf32, #tpu.memory_space<vmem>>) dst(%dma_wait3A_14 : memref<128x32xf32, #tpu.memory_space<hbm>>)
      tpu.yield
    }) : () -> ()
    return
  }
}

module attributes {stable_mosaic.version = 14 : i64} {
  func.func @_dist_argmin_body(%arg0: i32, %arg1: memref<512x32xf32, #tpu.memory_space<vmem>>, %arg2: memref<32x512xf32, #tpu.memory_space<vmem>>, %arg3: memref<512x1xi32, #tpu.memory_space<vmem>>) attributes {dimension_semantics = [#tpu.dimension_semantics<arbitrary>], iteration_bounds = array<i64: 8>, scalar_prefetch = 0 : i64, scratch_operands = 0 : i64, tpu.core_type = #tpu.core_type<tc>, window_params = [{transform_indices = @transform_0, window_bounds = array<i64: 512, 32>}, {pipeline_mode = #tpu.pipeline_mode<synchronous>, transform_indices = @transform_1, window_bounds = array<i64: 32, 512>}, {transform_indices = @transform_2, window_bounds = array<i64: 512, 1>}]} {
    %get3A = arith.constant 0 : index
    %get3A_0 = arith.constant 0 : index
    %get3A_1 = vector.load %arg1[%get3A, %get3A_0] : memref<512x32xf32, #tpu.memory_space<vmem>>, vector<512x1xf32>
    %get3A_2 = arith.constant 0 : index
    %get3A_3 = arith.constant 0 : index
    %get3A_4 = vector.load %arg2[%get3A_2, %get3A_3] : memref<32x512xf32, #tpu.memory_space<vmem>>, vector<1x512xf32>
    %sub3A = vector.broadcast %get3A_1 : vector<512x1xf32> to vector<512x512xf32>
    %sub3A_5 = vector.broadcast %get3A_4 : vector<1x512xf32> to vector<512x512xf32>
    %sub3A_6 = arith.subf %sub3A, %sub3A_5 : vector<512x512xf32>
    %mul3A = arith.mulf %sub3A_6, %sub3A_6 : vector<512x512xf32>
    %get3A_7 = arith.constant 0 : index
    %get3A_8 = arith.constant 1 : index
    %get3A_9 = vector.load %arg1[%get3A_7, %get3A_8] : memref<512x32xf32, #tpu.memory_space<vmem>>, vector<512x1xf32>
    %get3A_10 = arith.constant 1 : index
    %get3A_11 = arith.constant 0 : index
    %get3A_12 = vector.load %arg2[%get3A_10, %get3A_11] : memref<32x512xf32, #tpu.memory_space<vmem>>, vector<1x512xf32>
    %sub3A_13 = vector.broadcast %get3A_9 : vector<512x1xf32> to vector<512x512xf32>
    %sub3A_14 = vector.broadcast %get3A_12 : vector<1x512xf32> to vector<512x512xf32>
    %sub3A_15 = arith.subf %sub3A_13, %sub3A_14 : vector<512x512xf32>
    %mul3A_16 = arith.mulf %sub3A_15, %sub3A_15 : vector<512x512xf32>
    %get3A_17 = arith.constant 0 : index
    %get3A_18 = arith.constant 2 : index
    %get3A_19 = vector.load %arg1[%get3A_17, %get3A_18] : memref<512x32xf32, #tpu.memory_space<vmem>>, vector<512x1xf32>
    %get3A_20 = arith.constant 2 : index
    %get3A_21 = arith.constant 0 : index
    %get3A_22 = vector.load %arg2[%get3A_20, %get3A_21] : memref<32x512xf32, #tpu.memory_space<vmem>>, vector<1x512xf32>
    %sub3A_23 = vector.broadcast %get3A_19 : vector<512x1xf32> to vector<512x512xf32>
    %sub3A_24 = vector.broadcast %get3A_22 : vector<1x512xf32> to vector<512x512xf32>
    %sub3A_25 = arith.subf %sub3A_23, %sub3A_24 : vector<512x512xf32>
    %mul3A_26 = arith.mulf %sub3A_25, %sub3A_25 : vector<512x512xf32>
    %get3A_27 = arith.constant 0 : index
    %get3A_28 = arith.constant 3 : index
    %get3A_29 = vector.load %arg1[%get3A_27, %get3A_28] : memref<512x32xf32, #tpu.memory_space<vmem>>, vector<512x1xf32>
    %get3A_30 = arith.constant 3 : index
    %get3A_31 = arith.constant 0 : index
    %get3A_32 = vector.load %arg2[%get3A_30, %get3A_31] : memref<32x512xf32, #tpu.memory_space<vmem>>, vector<1x512xf32>
    %sub3A_33 = vector.broadcast %get3A_29 : vector<512x1xf32> to vector<512x512xf32>
    %sub3A_34 = vector.broadcast %get3A_32 : vector<1x512xf32> to vector<512x512xf32>
    %sub3A_35 = arith.subf %sub3A_33, %sub3A_34 : vector<512x512xf32>
    %mul3A_36 = arith.mulf %sub3A_35, %sub3A_35 : vector<512x512xf32>
    %get3A_37 = arith.constant 0 : index
    %get3A_38 = arith.constant 4 : index
    %get3A_39 = vector.load %arg1[%get3A_37, %get3A_38] : memref<512x32xf32, #tpu.memory_space<vmem>>, vector<512x1xf32>
    %get3A_40 = arith.constant 4 : index
    %get3A_41 = arith.constant 0 : index
    %get3A_42 = vector.load %arg2[%get3A_40, %get3A_41] : memref<32x512xf32, #tpu.memory_space<vmem>>, vector<1x512xf32>
    %sub3A_43 = vector.broadcast %get3A_39 : vector<512x1xf32> to vector<512x512xf32>
    %sub3A_44 = vector.broadcast %get3A_42 : vector<1x512xf32> to vector<512x512xf32>
    %sub3A_45 = arith.subf %sub3A_43, %sub3A_44 : vector<512x512xf32>
    %mul3A_46 = arith.mulf %sub3A_45, %sub3A_45 : vector<512x512xf32>
    %get3A_47 = arith.constant 0 : index
    %get3A_48 = arith.constant 5 : index
    %get3A_49 = vector.load %arg1[%get3A_47, %get3A_48] : memref<512x32xf32, #tpu.memory_space<vmem>>, vector<512x1xf32>
    %get3A_50 = arith.constant 5 : index
    %get3A_51 = arith.constant 0 : index
    %get3A_52 = vector.load %arg2[%get3A_50, %get3A_51] : memref<32x512xf32, #tpu.memory_space<vmem>>, vector<1x512xf32>
    %sub3A_53 = vector.broadcast %get3A_49 : vector<512x1xf32> to vector<512x512xf32>
    %sub3A_54 = vector.broadcast %get3A_52 : vector<1x512xf32> to vector<512x512xf32>
    %sub3A_55 = arith.subf %sub3A_53, %sub3A_54 : vector<512x512xf32>
    %mul3A_56 = arith.mulf %sub3A_55, %sub3A_55 : vector<512x512xf32>
    %get3A_57 = arith.constant 0 : index
    %get3A_58 = arith.constant 6 : index
    %get3A_59 = vector.load %arg1[%get3A_57, %get3A_58] : memref<512x32xf32, #tpu.memory_space<vmem>>, vector<512x1xf32>
    %get3A_60 = arith.constant 6 : index
    %get3A_61 = arith.constant 0 : index
    %get3A_62 = vector.load %arg2[%get3A_60, %get3A_61] : memref<32x512xf32, #tpu.memory_space<vmem>>, vector<1x512xf32>
    %sub3A_63 = vector.broadcast %get3A_59 : vector<512x1xf32> to vector<512x512xf32>
    %sub3A_64 = vector.broadcast %get3A_62 : vector<1x512xf32> to vector<512x512xf32>
    %sub3A_65 = arith.subf %sub3A_63, %sub3A_64 : vector<512x512xf32>
    %mul3A_66 = arith.mulf %sub3A_65, %sub3A_65 : vector<512x512xf32>
    %get3A_67 = arith.constant 0 : index
    %get3A_68 = arith.constant 7 : index
    %get3A_69 = vector.load %arg1[%get3A_67, %get3A_68] : memref<512x32xf32, #tpu.memory_space<vmem>>, vector<512x1xf32>
    %get3A_70 = arith.constant 7 : index
    %get3A_71 = arith.constant 0 : index
    %get3A_72 = vector.load %arg2[%get3A_70, %get3A_71] : memref<32x512xf32, #tpu.memory_space<vmem>>, vector<1x512xf32>
    %sub3A_73 = vector.broadcast %get3A_69 : vector<512x1xf32> to vector<512x512xf32>
    %sub3A_74 = vector.broadcast %get3A_72 : vector<1x512xf32> to vector<512x512xf32>
    %sub3A_75 = arith.subf %sub3A_73, %sub3A_74 : vector<512x512xf32>
    %mul3A_76 = arith.mulf %sub3A_75, %sub3A_75 : vector<512x512xf32>
    %add3A = arith.addf %mul3A_46, %mul3A : vector<512x512xf32>
    %add3A_77 = arith.addf %mul3A_56, %mul3A_16 : vector<512x512xf32>
    %add3A_78 = arith.addf %mul3A_66, %mul3A_26 : vector<512x512xf32>
    %add3A_79 = arith.addf %mul3A_76, %mul3A_36 : vector<512x512xf32>
    %add3A_80 = arith.addf %add3A_79, %add3A_77 : vector<512x512xf32>
    %add3A_81 = arith.addf %add3A_78, %add3A : vector<512x512xf32>
    %add3A_82 = arith.addf %add3A_80, %add3A_81 : vector<512x512xf32>
    %get3A_83 = arith.constant 0 : index
    %get3A_84 = arith.constant 8 : index
    %get3A_85 = vector.load %arg1[%get3A_83, %get3A_84] : memref<512x32xf32, #tpu.memory_space<vmem>>, vector<512x1xf32>
    %get3A_86 = arith.constant 8 : index
    %get3A_87 = arith.constant 0 : index
    %get3A_88 = vector.load %arg2[%get3A_86, %get3A_87] : memref<32x512xf32, #tpu.memory_space<vmem>>, vector<1x512xf32>
    %sub3A_89 = vector.broadcast %get3A_85 : vector<512x1xf32> to vector<512x512xf32>
    %sub3A_90 = vector.broadcast %get3A_88 : vector<1x512xf32> to vector<512x512xf32>
    %sub3A_91 = arith.subf %sub3A_89, %sub3A_90 : vector<512x512xf32>
    %mul3A_92 = arith.mulf %sub3A_91, %sub3A_91 : vector<512x512xf32>
    %get3A_93 = arith.constant 0 : index
    %get3A_94 = arith.constant 9 : index
    %get3A_95 = vector.load %arg1[%get3A_93, %get3A_94] : memref<512x32xf32, #tpu.memory_space<vmem>>, vector<512x1xf32>
    %get3A_96 = arith.constant 9 : index
    %get3A_97 = arith.constant 0 : index
    %get3A_98 = vector.load %arg2[%get3A_96, %get3A_97] : memref<32x512xf32, #tpu.memory_space<vmem>>, vector<1x512xf32>
    %sub3A_99 = vector.broadcast %get3A_95 : vector<512x1xf32> to vector<512x512xf32>
    %sub3A_100 = vector.broadcast %get3A_98 : vector<1x512xf32> to vector<512x512xf32>
    %sub3A_101 = arith.subf %sub3A_99, %sub3A_100 : vector<512x512xf32>
    %mul3A_102 = arith.mulf %sub3A_101, %sub3A_101 : vector<512x512xf32>
    %get3A_103 = arith.constant 0 : index
    %get3A_104 = arith.constant 10 : index
    %get3A_105 = vector.load %arg1[%get3A_103, %get3A_104] : memref<512x32xf32, #tpu.memory_space<vmem>>, vector<512x1xf32>
    %get3A_106 = arith.constant 10 : index
    %get3A_107 = arith.constant 0 : index
    %get3A_108 = vector.load %arg2[%get3A_106, %get3A_107] : memref<32x512xf32, #tpu.memory_space<vmem>>, vector<1x512xf32>
    %sub3A_109 = vector.broadcast %get3A_105 : vector<512x1xf32> to vector<512x512xf32>
    %sub3A_110 = vector.broadcast %get3A_108 : vector<1x512xf32> to vector<512x512xf32>
    %sub3A_111 = arith.subf %sub3A_109, %sub3A_110 : vector<512x512xf32>
    %mul3A_112 = arith.mulf %sub3A_111, %sub3A_111 : vector<512x512xf32>
    %get3A_113 = arith.constant 0 : index
    %get3A_114 = arith.constant 11 : index
    %get3A_115 = vector.load %arg1[%get3A_113, %get3A_114] : memref<512x32xf32, #tpu.memory_space<vmem>>, vector<512x1xf32>
    %get3A_116 = arith.constant 11 : index
    %get3A_117 = arith.constant 0 : index
    %get3A_118 = vector.load %arg2[%get3A_116, %get3A_117] : memref<32x512xf32, #tpu.memory_space<vmem>>, vector<1x512xf32>
    %sub3A_119 = vector.broadcast %get3A_115 : vector<512x1xf32> to vector<512x512xf32>
    %sub3A_120 = vector.broadcast %get3A_118 : vector<1x512xf32> to vector<512x512xf32>
    %sub3A_121 = arith.subf %sub3A_119, %sub3A_120 : vector<512x512xf32>
    %mul3A_122 = arith.mulf %sub3A_121, %sub3A_121 : vector<512x512xf32>
    %get3A_123 = arith.constant 0 : index
    %get3A_124 = arith.constant 12 : index
    %get3A_125 = vector.load %arg1[%get3A_123, %get3A_124] : memref<512x32xf32, #tpu.memory_space<vmem>>, vector<512x1xf32>
    %get3A_126 = arith.constant 12 : index
    %get3A_127 = arith.constant 0 : index
    %get3A_128 = vector.load %arg2[%get3A_126, %get3A_127] : memref<32x512xf32, #tpu.memory_space<vmem>>, vector<1x512xf32>
    %sub3A_129 = vector.broadcast %get3A_125 : vector<512x1xf32> to vector<512x512xf32>
    %sub3A_130 = vector.broadcast %get3A_128 : vector<1x512xf32> to vector<512x512xf32>
    %sub3A_131 = arith.subf %sub3A_129, %sub3A_130 : vector<512x512xf32>
    %mul3A_132 = arith.mulf %sub3A_131, %sub3A_131 : vector<512x512xf32>
    %get3A_133 = arith.constant 0 : index
    %get3A_134 = arith.constant 13 : index
    %get3A_135 = vector.load %arg1[%get3A_133, %get3A_134] : memref<512x32xf32, #tpu.memory_space<vmem>>, vector<512x1xf32>
    %get3A_136 = arith.constant 13 : index
    %get3A_137 = arith.constant 0 : index
    %get3A_138 = vector.load %arg2[%get3A_136, %get3A_137] : memref<32x512xf32, #tpu.memory_space<vmem>>, vector<1x512xf32>
    %sub3A_139 = vector.broadcast %get3A_135 : vector<512x1xf32> to vector<512x512xf32>
    %sub3A_140 = vector.broadcast %get3A_138 : vector<1x512xf32> to vector<512x512xf32>
    %sub3A_141 = arith.subf %sub3A_139, %sub3A_140 : vector<512x512xf32>
    %mul3A_142 = arith.mulf %sub3A_141, %sub3A_141 : vector<512x512xf32>
    %get3A_143 = arith.constant 0 : index
    %get3A_144 = arith.constant 14 : index
    %get3A_145 = vector.load %arg1[%get3A_143, %get3A_144] : memref<512x32xf32, #tpu.memory_space<vmem>>, vector<512x1xf32>
    %get3A_146 = arith.constant 14 : index
    %get3A_147 = arith.constant 0 : index
    %get3A_148 = vector.load %arg2[%get3A_146, %get3A_147] : memref<32x512xf32, #tpu.memory_space<vmem>>, vector<1x512xf32>
    %sub3A_149 = vector.broadcast %get3A_145 : vector<512x1xf32> to vector<512x512xf32>
    %sub3A_150 = vector.broadcast %get3A_148 : vector<1x512xf32> to vector<512x512xf32>
    %sub3A_151 = arith.subf %sub3A_149, %sub3A_150 : vector<512x512xf32>
    %mul3A_152 = arith.mulf %sub3A_151, %sub3A_151 : vector<512x512xf32>
    %get3A_153 = arith.constant 0 : index
    %get3A_154 = arith.constant 15 : index
    %get3A_155 = vector.load %arg1[%get3A_153, %get3A_154] : memref<512x32xf32, #tpu.memory_space<vmem>>, vector<512x1xf32>
    %get3A_156 = arith.constant 15 : index
    %get3A_157 = arith.constant 0 : index
    %get3A_158 = vector.load %arg2[%get3A_156, %get3A_157] : memref<32x512xf32, #tpu.memory_space<vmem>>, vector<1x512xf32>
    %sub3A_159 = vector.broadcast %get3A_155 : vector<512x1xf32> to vector<512x512xf32>
    %sub3A_160 = vector.broadcast %get3A_158 : vector<1x512xf32> to vector<512x512xf32>
    %sub3A_161 = arith.subf %sub3A_159, %sub3A_160 : vector<512x512xf32>
    %mul3A_162 = arith.mulf %sub3A_161, %sub3A_161 : vector<512x512xf32>
    %add3A_163 = arith.addf %mul3A_132, %mul3A_92 : vector<512x512xf32>
    %add3A_164 = arith.addf %mul3A_142, %mul3A_102 : vector<512x512xf32>
    %add3A_165 = arith.addf %mul3A_152, %mul3A_112 : vector<512x512xf32>
    %add3A_166 = arith.addf %mul3A_162, %mul3A_122 : vector<512x512xf32>
    %add3A_167 = arith.addf %add3A_166, %add3A_164 : vector<512x512xf32>
    %add3A_168 = arith.addf %add3A_165, %add3A_163 : vector<512x512xf32>
    %add3A_169 = arith.addf %add3A_167, %add3A_168 : vector<512x512xf32>
    %add3A_170 = arith.addf %add3A_82, %add3A_169 : vector<512x512xf32>
    %get3A_171 = arith.constant 0 : index
    %get3A_172 = arith.constant 16 : index
    %get3A_173 = vector.load %arg1[%get3A_171, %get3A_172] : memref<512x32xf32, #tpu.memory_space<vmem>>, vector<512x1xf32>
    %get3A_174 = arith.constant 16 : index
    %get3A_175 = arith.constant 0 : index
    %get3A_176 = vector.load %arg2[%get3A_174, %get3A_175] : memref<32x512xf32, #tpu.memory_space<vmem>>, vector<1x512xf32>
    %sub3A_177 = vector.broadcast %get3A_173 : vector<512x1xf32> to vector<512x512xf32>
    %sub3A_178 = vector.broadcast %get3A_176 : vector<1x512xf32> to vector<512x512xf32>
    %sub3A_179 = arith.subf %sub3A_177, %sub3A_178 : vector<512x512xf32>
    %mul3A_180 = arith.mulf %sub3A_179, %sub3A_179 : vector<512x512xf32>
    %get3A_181 = arith.constant 0 : index
    %get3A_182 = arith.constant 17 : index
    %get3A_183 = vector.load %arg1[%get3A_181, %get3A_182] : memref<512x32xf32, #tpu.memory_space<vmem>>, vector<512x1xf32>
    %get3A_184 = arith.constant 17 : index
    %get3A_185 = arith.constant 0 : index
    %get3A_186 = vector.load %arg2[%get3A_184, %get3A_185] : memref<32x512xf32, #tpu.memory_space<vmem>>, vector<1x512xf32>
    %sub3A_187 = vector.broadcast %get3A_183 : vector<512x1xf32> to vector<512x512xf32>
    %sub3A_188 = vector.broadcast %get3A_186 : vector<1x512xf32> to vector<512x512xf32>
    %sub3A_189 = arith.subf %sub3A_187, %sub3A_188 : vector<512x512xf32>
    %mul3A_190 = arith.mulf %sub3A_189, %sub3A_189 : vector<512x512xf32>
    %get3A_191 = arith.constant 0 : index
    %get3A_192 = arith.constant 18 : index
    %get3A_193 = vector.load %arg1[%get3A_191, %get3A_192] : memref<512x32xf32, #tpu.memory_space<vmem>>, vector<512x1xf32>
    %get3A_194 = arith.constant 18 : index
    %get3A_195 = arith.constant 0 : index
    %get3A_196 = vector.load %arg2[%get3A_194, %get3A_195] : memref<32x512xf32, #tpu.memory_space<vmem>>, vector<1x512xf32>
    %sub3A_197 = vector.broadcast %get3A_193 : vector<512x1xf32> to vector<512x512xf32>
    %sub3A_198 = vector.broadcast %get3A_196 : vector<1x512xf32> to vector<512x512xf32>
    %sub3A_199 = arith.subf %sub3A_197, %sub3A_198 : vector<512x512xf32>
    %mul3A_200 = arith.mulf %sub3A_199, %sub3A_199 : vector<512x512xf32>
    %get3A_201 = arith.constant 0 : index
    %get3A_202 = arith.constant 19 : index
    %get3A_203 = vector.load %arg1[%get3A_201, %get3A_202] : memref<512x32xf32, #tpu.memory_space<vmem>>, vector<512x1xf32>
    %get3A_204 = arith.constant 19 : index
    %get3A_205 = arith.constant 0 : index
    %get3A_206 = vector.load %arg2[%get3A_204, %get3A_205] : memref<32x512xf32, #tpu.memory_space<vmem>>, vector<1x512xf32>
    %sub3A_207 = vector.broadcast %get3A_203 : vector<512x1xf32> to vector<512x512xf32>
    %sub3A_208 = vector.broadcast %get3A_206 : vector<1x512xf32> to vector<512x512xf32>
    %sub3A_209 = arith.subf %sub3A_207, %sub3A_208 : vector<512x512xf32>
    %mul3A_210 = arith.mulf %sub3A_209, %sub3A_209 : vector<512x512xf32>
    %get3A_211 = arith.constant 0 : index
    %get3A_212 = arith.constant 20 : index
    %get3A_213 = vector.load %arg1[%get3A_211, %get3A_212] : memref<512x32xf32, #tpu.memory_space<vmem>>, vector<512x1xf32>
    %get3A_214 = arith.constant 20 : index
    %get3A_215 = arith.constant 0 : index
    %get3A_216 = vector.load %arg2[%get3A_214, %get3A_215] : memref<32x512xf32, #tpu.memory_space<vmem>>, vector<1x512xf32>
    %sub3A_217 = vector.broadcast %get3A_213 : vector<512x1xf32> to vector<512x512xf32>
    %sub3A_218 = vector.broadcast %get3A_216 : vector<1x512xf32> to vector<512x512xf32>
    %sub3A_219 = arith.subf %sub3A_217, %sub3A_218 : vector<512x512xf32>
    %mul3A_220 = arith.mulf %sub3A_219, %sub3A_219 : vector<512x512xf32>
    %get3A_221 = arith.constant 0 : index
    %get3A_222 = arith.constant 21 : index
    %get3A_223 = vector.load %arg1[%get3A_221, %get3A_222] : memref<512x32xf32, #tpu.memory_space<vmem>>, vector<512x1xf32>
    %get3A_224 = arith.constant 21 : index
    %get3A_225 = arith.constant 0 : index
    %get3A_226 = vector.load %arg2[%get3A_224, %get3A_225] : memref<32x512xf32, #tpu.memory_space<vmem>>, vector<1x512xf32>
    %sub3A_227 = vector.broadcast %get3A_223 : vector<512x1xf32> to vector<512x512xf32>
    %sub3A_228 = vector.broadcast %get3A_226 : vector<1x512xf32> to vector<512x512xf32>
    %sub3A_229 = arith.subf %sub3A_227, %sub3A_228 : vector<512x512xf32>
    %mul3A_230 = arith.mulf %sub3A_229, %sub3A_229 : vector<512x512xf32>
    %get3A_231 = arith.constant 0 : index
    %get3A_232 = arith.constant 22 : index
    %get3A_233 = vector.load %arg1[%get3A_231, %get3A_232] : memref<512x32xf32, #tpu.memory_space<vmem>>, vector<512x1xf32>
    %get3A_234 = arith.constant 22 : index
    %get3A_235 = arith.constant 0 : index
    %get3A_236 = vector.load %arg2[%get3A_234, %get3A_235] : memref<32x512xf32, #tpu.memory_space<vmem>>, vector<1x512xf32>
    %sub3A_237 = vector.broadcast %get3A_233 : vector<512x1xf32> to vector<512x512xf32>
    %sub3A_238 = vector.broadcast %get3A_236 : vector<1x512xf32> to vector<512x512xf32>
    %sub3A_239 = arith.subf %sub3A_237, %sub3A_238 : vector<512x512xf32>
    %mul3A_240 = arith.mulf %sub3A_239, %sub3A_239 : vector<512x512xf32>
    %get3A_241 = arith.constant 0 : index
    %get3A_242 = arith.constant 23 : index
    %get3A_243 = vector.load %arg1[%get3A_241, %get3A_242] : memref<512x32xf32, #tpu.memory_space<vmem>>, vector<512x1xf32>
    %get3A_244 = arith.constant 23 : index
    %get3A_245 = arith.constant 0 : index
    %get3A_246 = vector.load %arg2[%get3A_244, %get3A_245] : memref<32x512xf32, #tpu.memory_space<vmem>>, vector<1x512xf32>
    %sub3A_247 = vector.broadcast %get3A_243 : vector<512x1xf32> to vector<512x512xf32>
    %sub3A_248 = vector.broadcast %get3A_246 : vector<1x512xf32> to vector<512x512xf32>
    %sub3A_249 = arith.subf %sub3A_247, %sub3A_248 : vector<512x512xf32>
    %mul3A_250 = arith.mulf %sub3A_249, %sub3A_249 : vector<512x512xf32>
    %add3A_251 = arith.addf %mul3A_220, %mul3A_180 : vector<512x512xf32>
    %add3A_252 = arith.addf %mul3A_230, %mul3A_190 : vector<512x512xf32>
    %add3A_253 = arith.addf %mul3A_240, %mul3A_200 : vector<512x512xf32>
    %add3A_254 = arith.addf %mul3A_250, %mul3A_210 : vector<512x512xf32>
    %add3A_255 = arith.addf %add3A_254, %add3A_252 : vector<512x512xf32>
    %add3A_256 = arith.addf %add3A_253, %add3A_251 : vector<512x512xf32>
    %add3A_257 = arith.addf %add3A_255, %add3A_256 : vector<512x512xf32>
    %add3A_258 = arith.addf %add3A_170, %add3A_257 : vector<512x512xf32>
    %get3A_259 = arith.constant 0 : index
    %get3A_260 = arith.constant 24 : index
    %get3A_261 = vector.load %arg1[%get3A_259, %get3A_260] : memref<512x32xf32, #tpu.memory_space<vmem>>, vector<512x1xf32>
    %get3A_262 = arith.constant 24 : index
    %get3A_263 = arith.constant 0 : index
    %get3A_264 = vector.load %arg2[%get3A_262, %get3A_263] : memref<32x512xf32, #tpu.memory_space<vmem>>, vector<1x512xf32>
    %sub3A_265 = vector.broadcast %get3A_261 : vector<512x1xf32> to vector<512x512xf32>
    %sub3A_266 = vector.broadcast %get3A_264 : vector<1x512xf32> to vector<512x512xf32>
    %sub3A_267 = arith.subf %sub3A_265, %sub3A_266 : vector<512x512xf32>
    %mul3A_268 = arith.mulf %sub3A_267, %sub3A_267 : vector<512x512xf32>
    %get3A_269 = arith.constant 0 : index
    %get3A_270 = arith.constant 25 : index
    %get3A_271 = vector.load %arg1[%get3A_269, %get3A_270] : memref<512x32xf32, #tpu.memory_space<vmem>>, vector<512x1xf32>
    %get3A_272 = arith.constant 25 : index
    %get3A_273 = arith.constant 0 : index
    %get3A_274 = vector.load %arg2[%get3A_272, %get3A_273] : memref<32x512xf32, #tpu.memory_space<vmem>>, vector<1x512xf32>
    %sub3A_275 = vector.broadcast %get3A_271 : vector<512x1xf32> to vector<512x512xf32>
    %sub3A_276 = vector.broadcast %get3A_274 : vector<1x512xf32> to vector<512x512xf32>
    %sub3A_277 = arith.subf %sub3A_275, %sub3A_276 : vector<512x512xf32>
    %mul3A_278 = arith.mulf %sub3A_277, %sub3A_277 : vector<512x512xf32>
    %get3A_279 = arith.constant 0 : index
    %get3A_280 = arith.constant 26 : index
    %get3A_281 = vector.load %arg1[%get3A_279, %get3A_280] : memref<512x32xf32, #tpu.memory_space<vmem>>, vector<512x1xf32>
    %get3A_282 = arith.constant 26 : index
    %get3A_283 = arith.constant 0 : index
    %get3A_284 = vector.load %arg2[%get3A_282, %get3A_283] : memref<32x512xf32, #tpu.memory_space<vmem>>, vector<1x512xf32>
    %sub3A_285 = vector.broadcast %get3A_281 : vector<512x1xf32> to vector<512x512xf32>
    %sub3A_286 = vector.broadcast %get3A_284 : vector<1x512xf32> to vector<512x512xf32>
    %sub3A_287 = arith.subf %sub3A_285, %sub3A_286 : vector<512x512xf32>
    %mul3A_288 = arith.mulf %sub3A_287, %sub3A_287 : vector<512x512xf32>
    %get3A_289 = arith.constant 0 : index
    %get3A_290 = arith.constant 27 : index
    %get3A_291 = vector.load %arg1[%get3A_289, %get3A_290] : memref<512x32xf32, #tpu.memory_space<vmem>>, vector<512x1xf32>
    %get3A_292 = arith.constant 27 : index
    %get3A_293 = arith.constant 0 : index
    %get3A_294 = vector.load %arg2[%get3A_292, %get3A_293] : memref<32x512xf32, #tpu.memory_space<vmem>>, vector<1x512xf32>
    %sub3A_295 = vector.broadcast %get3A_291 : vector<512x1xf32> to vector<512x512xf32>
    %sub3A_296 = vector.broadcast %get3A_294 : vector<1x512xf32> to vector<512x512xf32>
    %sub3A_297 = arith.subf %sub3A_295, %sub3A_296 : vector<512x512xf32>
    %mul3A_298 = arith.mulf %sub3A_297, %sub3A_297 : vector<512x512xf32>
    %get3A_299 = arith.constant 0 : index
    %get3A_300 = arith.constant 28 : index
    %get3A_301 = vector.load %arg1[%get3A_299, %get3A_300] : memref<512x32xf32, #tpu.memory_space<vmem>>, vector<512x1xf32>
    %get3A_302 = arith.constant 28 : index
    %get3A_303 = arith.constant 0 : index
    %get3A_304 = vector.load %arg2[%get3A_302, %get3A_303] : memref<32x512xf32, #tpu.memory_space<vmem>>, vector<1x512xf32>
    %sub3A_305 = vector.broadcast %get3A_301 : vector<512x1xf32> to vector<512x512xf32>
    %sub3A_306 = vector.broadcast %get3A_304 : vector<1x512xf32> to vector<512x512xf32>
    %sub3A_307 = arith.subf %sub3A_305, %sub3A_306 : vector<512x512xf32>
    %mul3A_308 = arith.mulf %sub3A_307, %sub3A_307 : vector<512x512xf32>
    %get3A_309 = arith.constant 0 : index
    %get3A_310 = arith.constant 29 : index
    %get3A_311 = vector.load %arg1[%get3A_309, %get3A_310] : memref<512x32xf32, #tpu.memory_space<vmem>>, vector<512x1xf32>
    %get3A_312 = arith.constant 29 : index
    %get3A_313 = arith.constant 0 : index
    %get3A_314 = vector.load %arg2[%get3A_312, %get3A_313] : memref<32x512xf32, #tpu.memory_space<vmem>>, vector<1x512xf32>
    %sub3A_315 = vector.broadcast %get3A_311 : vector<512x1xf32> to vector<512x512xf32>
    %sub3A_316 = vector.broadcast %get3A_314 : vector<1x512xf32> to vector<512x512xf32>
    %sub3A_317 = arith.subf %sub3A_315, %sub3A_316 : vector<512x512xf32>
    %mul3A_318 = arith.mulf %sub3A_317, %sub3A_317 : vector<512x512xf32>
    %get3A_319 = arith.constant 0 : index
    %get3A_320 = arith.constant 30 : index
    %get3A_321 = vector.load %arg1[%get3A_319, %get3A_320] : memref<512x32xf32, #tpu.memory_space<vmem>>, vector<512x1xf32>
    %get3A_322 = arith.constant 30 : index
    %get3A_323 = arith.constant 0 : index
    %get3A_324 = vector.load %arg2[%get3A_322, %get3A_323] : memref<32x512xf32, #tpu.memory_space<vmem>>, vector<1x512xf32>
    %sub3A_325 = vector.broadcast %get3A_321 : vector<512x1xf32> to vector<512x512xf32>
    %sub3A_326 = vector.broadcast %get3A_324 : vector<1x512xf32> to vector<512x512xf32>
    %sub3A_327 = arith.subf %sub3A_325, %sub3A_326 : vector<512x512xf32>
    %mul3A_328 = arith.mulf %sub3A_327, %sub3A_327 : vector<512x512xf32>
    %get3A_329 = arith.constant 0 : index
    %get3A_330 = arith.constant 31 : index
    %get3A_331 = vector.load %arg1[%get3A_329, %get3A_330] : memref<512x32xf32, #tpu.memory_space<vmem>>, vector<512x1xf32>
    %get3A_332 = arith.constant 31 : index
    %get3A_333 = arith.constant 0 : index
    %get3A_334 = vector.load %arg2[%get3A_332, %get3A_333] : memref<32x512xf32, #tpu.memory_space<vmem>>, vector<1x512xf32>
    %sub3A_335 = vector.broadcast %get3A_331 : vector<512x1xf32> to vector<512x512xf32>
    %sub3A_336 = vector.broadcast %get3A_334 : vector<1x512xf32> to vector<512x512xf32>
    %sub3A_337 = arith.subf %sub3A_335, %sub3A_336 : vector<512x512xf32>
    %mul3A_338 = arith.mulf %sub3A_337, %sub3A_337 : vector<512x512xf32>
    %add3A_339 = arith.addf %mul3A_308, %mul3A_268 : vector<512x512xf32>
    %add3A_340 = arith.addf %mul3A_318, %mul3A_278 : vector<512x512xf32>
    %add3A_341 = arith.addf %mul3A_328, %mul3A_288 : vector<512x512xf32>
    %add3A_342 = arith.addf %mul3A_338, %mul3A_298 : vector<512x512xf32>
    %add3A_343 = arith.addf %add3A_342, %add3A_340 : vector<512x512xf32>
    %add3A_344 = arith.addf %add3A_341, %add3A_339 : vector<512x512xf32>
    %add3A_345 = arith.addf %add3A_343, %add3A_344 : vector<512x512xf32>
    %add3A_346 = arith.addf %add3A_258, %add3A_345 : vector<512x512xf32>
    %sqrt3A = math.sqrt %add3A_346 : vector<512x512xf32>
    %reduce_min3A = arith.constant dense<0x7F800000> : vector<512xf32>
    %reduce_min3A_347 = vector.multi_reduction <minimumf>, %sqrt3A, %reduce_min3A [1] : vector<512x512xf32> to vector<512xf32>
    %broadcast_in_dim3A = vector.shape_cast %reduce_min3A_347 : vector<512xf32> to vector<512x1xf32>
    %iota3A = tpu.iota {dimensions = array<i32: 1>} : vector<512x512xi32>
    %eq3A = vector.broadcast %broadcast_in_dim3A : vector<512x1xf32> to vector<512x512xf32>
    %eq3A_348 = arith.cmpf oeq, %sqrt3A, %eq3A : vector<512x512xf32>
    %jit3A = arith.constant 512 : i32
    %broadcast_in_dim3A_349 = vector.broadcast %jit3A : i32 to vector<512x512xi32>
    %select_n3A = arith.select %eq3A_348, %iota3A, %broadcast_in_dim3A_349 : vector<512x512xi1>, vector<512x512xi32>
    %reduce_min3A_350 = arith.constant dense<2147483647> : vector<512xi32>
    %reduce_min3A_351 = vector.multi_reduction <minsi>, %select_n3A, %reduce_min3A_350 [1] : vector<512x512xi32> to vector<512xi32>
    %broadcast_in_dim3A_352 = vector.shape_cast %reduce_min3A_351 : vector<512xi32> to vector<512x1xi32>
    %swap3A = arith.constant 0 : index
    %swap3A_353 = arith.constant 0 : index
    %swap3A_354 = vector.load %arg3[%swap3A, %swap3A_353] : memref<512x1xi32, #tpu.memory_space<vmem>>, vector<512x1xi32>
    tpu.vector_store %arg3[%swap3A, %swap3A_353], %broadcast_in_dim3A_352 {strides = array<i32>} : memref<512x1xi32, #tpu.memory_space<vmem>>, vector<512x1xi32>,
    return
  }
  func.func @transform_0(%arg0: i32) -> (i32, i32) {
    %c0_i32 = arith.constant 0 : i32
    %c0_i32_0 = arith.constant 0 : i32
    return %arg0, %c0_i32 : i32, i32
  }
  func.func @transform_1(%arg0: i32) -> (i32, i32) {
    %c0_i32 = arith.constant 0 : i32
    %c0_i32_0 = arith.constant 0 : i32
    %c0_i32_1 = arith.constant 0 : i32
    return %c0_i32, %c0_i32_0 : i32, i32
  }
  func.func @transform_2(%arg0: i32) -> (i32, i32) {
    %c0_i32 = arith.constant 0 : i32
    %c0_i32_0 = arith.constant 0 : i32
    return %arg0, %c0_i32 : i32, i32
  }
}

</mosaic_0001>

<sc_bundles>
// kernel: kernel.5.cloned.1.call-start
scs
__scs_entry_jumppad:
0x0: {  	(pc) =	sbr.rel $0x88, $3  }
0x1: {  	(tag) =	ssettag $0x0;
	lr =	simm.s32 $0x1  }
0x2: {  	[smem:$0x3F9F] =	sst lr;
	_ =	strace $0xD0000000  }
0x3: {  	_ = 	snop  }
0x4: {  	_ = 	snop  }
0x5: {  	_ = 	snop  }
0x6: {  	_ = 	snop  }
0x7: {  	_ = 	snop  }
__scs_overlays_trampoline_lowered:
0x8: {  	[smem:$0x3FAE] =	sst s0  }
0x9: {  	[smem:$0x3FAF] =	sst s1  }
0xa: {  	[smem:$0x3FB0] =	sst s2  }
0xb: {  	[smem:$0x3FB1] =	sst s3  }
0xc: {  	[smem:$0x3FB2] =	sst s4  }
0xd: {  	[smem:$0x3FB3] =	sst s5  }
0xe: {  	[smem:$0x3FB4] =	sst s6  }
0xf: {  	[smem:$0x3FB5] =	sst s7  }
0x10: {  	[smem:$0x3FB6] =	sst s8  }
0x11: {  	[smem:$0x3FB7] =	sst s9;
	s0 =	simm.s32 @!p0 $0x0  }
0x12: {  	s1 =	sld [smem:$0x3F9D];
	s0 =	simm.s32 @p0 $0x1  }
0x13: {  	[smem:$0x3FB8] =	sst s0;
	s0 =	simm.s32 @!p1 $0x0  }
0x14: {  	s2 =	sld [smem:$0x3F9C];
	s0 =	simm.s32 @p1 $0x1  }
0x15: {  	[smem:$0x3FB9] =	sst s0;
	s0 =	simm.s32 @!p2 $0x0  }
0x16: {  	s3 =	sld [smem:$0x3FDB];
	s0 =	simm.s32 @p2 $0x1  }
0x17: {  	s4 =	simm.s32 $0x1BF5;
	[smem:$0x3FBB] =	sst s0  }
0x18: {  	s0 =	sld [smem:$0x3F9E];
	_ =	swait.ge [sflag:s4], $0x0  }
0x19: {  	s7 =	sld [smem:$0x3F9F]  }
0x1a: {  	s8 =	sadd.s32 $0xFFFFE003, lr  }
0x1b: {  	s9 =	sadd.s32 $0xFFFFFEF7, lr;
	s5 =	simm.s32 $0xFFFFFFFF;
	p2 =	slt.u32 s8, $0xFFFFF086  }
0x1c: {  	p1 =	slt.u32 s9, $0xF7A;
	s5 =	simm.s32 @!p2 $0x0  }
0x1d: {  	s5 =	simm.s32 @p1 $0x1;
	p0 =	seq.s32 s7, s2  }
0x1e: {  	s7 =	smul.u32 @!p0 $0xF7A, s2;
	p2 =	seq.s32 @!p0 s5, $0x0  }
0x1f: {  	s9 =	smul.u32 $0xF7A, s1;
	s8 =	simm.s32 @!p0 $0x1BF5;
	p2 =	por !p2, p0  }
0x20: {  	[sflag:s8] =	ssyncset.s32 @!p0 $0xFFFFF086;
	s6 =	sadd.s32 @!p0 s3, s7;
	s7 =	simm.s32 @!p0 $0x108  }
0x21: {  	s3 =	sadd.s32 s3, s9;
	s6 =	sadd.s32 @!p0 $0x88, s6;
	s7 =	simm.s32 @p2 $0x1082  }
0x22: {  	[simem:s7], [sflag:s8] =	dma.local @!p0 [hbm:s6], $0xF7A  }
0x23: {  	s9 =	sor.u32 $0xD0000000, s2;
	s6 =	simm.s32 $0x108;
	_ =	swait.ge @!p0 [sflag:s8], $0x0  }
0x24: {  	s3 =	sadd.s32 $0x88, s3;
	s6 =	simm.s32 @!p1 $0x1082;
	[sflag:s4] =	ssyncset.s32 $0xFFFFF086  }
0x25: {  	[simem:s6], [sflag:s4] =	dma.local [hbm:s3], $0xF7A  }
0x26: {  	[smem:$0x3F9F] =	sst s1;
	(tag) =	ssettag s2;
	_ =	strace s9  }
0x27: {  	s1 =	sld [smem:$0x3FAF]  }
0x28: {  	s2 =	sld [smem:$0x3FB0]  }
0x29: {  	s4 =	sld [smem:$0x3FB2]  }
0x2a: {  	p0 =	seq.s32 s5, $0x0;
	s5 =	sld [smem:$0x3FB3]  }
0x2b: {  	s6 =	sld [smem:$0x3FB4]  }
0x2c: {  	s7 =	sld [smem:$0x3FB5]  }
0x2d: {  	s3 =	simm.s32 $0x108;
	s8 =	sld [smem:$0x3FB6]  }
0x2e: {  	s3 =	simm.s32 @!p0 $0x1082;
	s9 =	sld [smem:$0x3FB7]  }
0x2f: {  	lr =	sadd.s32 s0, s3;
	s0 =	sld [smem:$0x3FAE]  }
0x30: {  	s3 =	sld [smem:$0x3FB1]  }
0x31: {  	[smem:$0x3FBA] =	sst s10  }
0x32: {  	s10 =	sld [smem:$0x3FB8];
	_ =	sdelay $0x3  }
0x33: {  	p0 =	seq.s32 s10, $0x1;
	s10 =	sld [smem:$0x3FBA];
	_ =	sdelay $0x3  }
0x34: {  	[smem:$0x3FBA] =	sst s10  }
0x35: {  	s10 =	sld [smem:$0x3FB9];
	_ =	sdelay $0x3  }
0x36: {  	p1 =	seq.s32 s10, $0x1;
	s10 =	sld [smem:$0x3FBA];
	_ =	sdelay $0x3  }
0x37: {  	[smem:$0x3FBA] =	sst s10  }
0x38: {  	s10 =	sld [smem:$0x3FBB]  }
0x39: {  	_ = 	snop;
	(pc) =	sbr.ind lr, $3  }
0x3a: {  	_ = 	snop  }
0x3b: {  	_ = 	snop  }
0x3c: {  	p2 =	seq.s32 s10, $0x1;
	s10 =	sld [smem:$0x3FBA]  }
0x3d: {  	_ =	shalt  }
0x3e: {  	_ =	shalt  }
0x3f: {  	_ =	shalt  }
0x40: {  	_ =	shalt  }
0x41: {  	_ =	shalt  }
0x42: {  	_ =	shalt  }
0x43: {  	_ =	shalt  }
0x44: {  	_ =	shalt  }
0x45: {  	_ =	shalt  }
0x46: {  	_ =	shalt  }
0x47: {  	_ =	shalt  }
0x48: {  	_ =	shalt  }
0x49: {  	_ =	shalt  }
0x4a: {  	_ =	shalt  }
0x4b: {  	_ =	shalt  }
0x4c: {  	_ =	shalt  }
0x4d: {  	_ =	shalt  }
0x4e: {  	_ =	shalt  }
0x4f: {  	_ =	shalt  }
0x50: {  	_ =	shalt  }
0x51: {  	_ =	shalt  }
0x52: {  	_ =	shalt  }
0x53: {  	_ =	shalt  }
0x54: {  	_ =	shalt  }
0x55: {  	_ =	shalt  }
0x56: {  	_ =	shalt  }
0x57: {  	_ =	shalt  }
0x58: {  	_ =	shalt  }
0x59: {  	_ =	shalt  }
0x5a: {  	_ =	shalt  }
0x5b: {  	_ =	shalt  }
0x5c: {  	_ =	shalt  }
0x5d: {  	_ =	shalt  }
0x5e: {  	_ =	shalt  }
0x5f: {  	_ =	shalt  }
0x60: {  	_ =	shalt  }
0x61: {  	_ =	shalt  }
0x62: {  	_ =	shalt  }
0x63: {  	_ =	shalt  }
0x64: {  	_ =	shalt  }
0x65: {  	_ =	shalt  }
0x66: {  	_ =	shalt  }
0x67: {  	_ =	shalt  }
0x68: {  	_ =	shalt  }
0x69: {  	_ =	shalt  }
0x6a: {  	_ =	shalt  }
0x6b: {  	_ =	shalt  }
0x6c: {  	_ =	shalt  }
0x6d: {  	_ =	shalt  }
0x6e: {  	_ =	shalt  }
0x6f: {  	_ =	shalt  }
0x70: {  	_ =	shalt  }
0x71: {  	_ =	shalt  }
0x72: {  	_ =	shalt  }
0x73: {  	_ =	shalt  }
0x74: {  	_ =	shalt  }
0x75: {  	_ =	shalt  }
0x76: {  	_ =	shalt  }
0x77: {  	_ =	shalt  }
0x78: {  	_ =	shalt  }
0x79: {  	_ =	shalt  }
0x7a: {  	_ =	shalt  }
0x7b: {  	_ =	shalt  }
0x7c: {  	_ =	shalt  }
0x7d: {  	_ =	shalt  }
0x7e: {  	_ =	shalt  }
0x7f: {  	_ =	shalt  }
0x80: {  	_ =	shalt  }
0x81: {  	_ =	shalt  }
0x82: {  	_ =	shalt  }
0x83: {  	_ =	shalt  }
0x84: {  	_ =	shalt  }
0x85: {  	_ =	shalt  }
0x86: {  	_ =	shalt  }
0x87: {  	_ =	shalt  }
.Lfunc_end0:
.L_simem_size_0:
called_computation_lowered:
.L_overlay_start_0:
0x88: {  	s2 =	sld [smem:$0x3FD9]  }
0x89: {  	s3 =	sld [smem:$0x3FFE];
	_ =	sdelay $0x1  }
0x8a: {  	s1 =	srdreg.scid  }
0x8b: {  	s0 =	sand.u32 $0x1, s1  }
0x8c: {  	s14 =	sshll.u32 s0, $0xA;
	s2 =	sadd.s32 s3, s2  }
0x8d: {  	s2 =	sadd.s32 s2, s14  }
0x8e: {  	[smem:$0x3FC6] =	sst s2  }
0x8f: {  	_ = 	snop  }
0x90: {  	s2 =	sld [smem:$0x3FD0];
	_ =	sdelay $0x2  }
0x91: {  	s15 =	simm.s32 $0xA;
	s4 =	simm.s32 $0x10  }
0x92: {  	[smem:s4], [sflag:s15] =	dma.local [hbm:s2], $0x1  }
0x93: {  	_ =	swait.eq [sflag:s15], $0x1  }
0x94: {  	[sflag:s15] =	ssyncset.done $0x0  }
0x95: {  	s16 =	sld [smem:$0x10];
	[sflag:s15] =	ssyncadd.s32 $0xFFFFFFFF  }
0x96: {  	s17 =	sld [smem:$0x11];
	(tm) =	ssettm $0x1  }
0x97: {  	s18 =	sld [smem:$0x3FFB];
	_ =	sdelay $0x3  }
0x98: {  	_ =	strace s18  }
0x99: {  	s4 =	sld [smem:$0x3FFC];
	_ =	sdelay $0x3  }
0x9a: {  	_ =	strace s4  }
0x9b: {  	s4 =	sld [smem:$0x3FFD];
	_ =	sdelay $0x3  }
0x9c: {  	_ =	strace s4  }
0x9d: {  	_ =	strace $0x8FFFFFFF  }
0x9e: {  	s19 =	sld [smem:$0x3FDB];
	_ =	sdelay $0x1  }
0x9f: {  	s5 =	simm.s32 $_scs_section_size  }
0xa0: {  	s6 =	simm.s32 $_size__tile_overlayer_lowered;
	s7 =	simm.s32 $_tile_overlayer_lowered  }
0xa1: {  	s22 =	simm.s32 $0x1BFF;
	s21 =	sshll.u32 s7, $0x1;
	s4 =	sadd.s32 s5, s19  }
0xa2: {  	s8 =	simm.s32 $0x0;
	s20 =	sshll.u32 s6, $0x1;
	s6 =	sadd.s32 s21, s4  }
0xa3: {  	[timem:s8], [sflag:s22] =	dma.local [hbm:s6], s20  }
0xa4: {  	_ =	swait.ge [sflag:s22], s20  }
0xa5: {  	s5 =	ssub.s32 $0x0, s20;
	[sflag:s22] =	ssyncset.done $0x0  }
0xa6: {  	[sflag:s22] =	ssyncadd.s32 s5;
	_ =	sdelay $0x1  }
0xa7: {  	s23 =	simm.s32 $0x1B8B  }
0xa8: {  	_ =	swait.ge [sflag:s23], $0x1  }
0xa9: {  	[sflag:s23] =	ssyncset.done $0x0  }
0xaa: {  	s25 =	simm.s32 $0x1B8E;
	s24 =	sld [smem:$0x3FFE];
	[sflag:s23] =	ssyncadd.s32 $0xFFFFFFFF  }
0xab: {  	s26 =	simm.s32 $execute0_lowered;
	[smem:$0x3FD2] =	sst s25  }
0xac: {  	s6 =	sshll.u32 s26, $0x1;
	_ =	strace $0x80000046;
	[dreg:$0x1] =	wrdreg $0xFFFFFFFF  }
0xad: {  	s28 =	simm.s32 $_size_execute0_lowered;
	s4 =	sadd.s32 s4, s6;
	[dreg:$0x0] =	wrdreg $0x0  }
0xae: {  	s6 =	sshll.u32 s28, $0x1;
	[dreg:$0x2] =	wrdreg s4  }
0xaf: {  	[dreg:$0x3] =	wrdreg s6  }
0xb0: {  	[dreg:$0x4] =	wrdreg $0xC0  }
0xb1: {  	_ =	task [dreg:s8], $0x5FFFF  }
0xb2: {  	[dreg:$0x1] =	wrdreg $0xFFFFFFFF  }
0xb3: {  	[dreg:$0x0] =	wrdreg $0x60  }
0xb4: {  	[dreg:$0x2] =	wrdreg s16  }
0xb5: {  	[dreg:$0x3] =	wrdreg s24  }
0xb6: {  	[dreg:$0x4] =	wrdreg s17  }
0xb7: {  	[dreg:$0x5] =	wrdreg $0x9  }
0xb8: {  	_ =	task.clear_ibuf [dreg:s8], $0x6FFFF;
	_ =	strace $0x90000046  }
0xb9: {  	s29 =	simm.s32 $0x9;
	_ =	strace $0x80000048  }
0xba: {  	_ =	swait.ge [sflag:s29], $0x1  }
0xbb: {  	[sflag:s29] =	ssyncadd.s32 $0xFFFFFFFF  }
0xbc: {  	_ =	strace $0x90000048  }
0xbd: {  	_ =	sfence  }
0xbe: {  	s30 =	sld [smem:$0x0];
	_ =	sdelay $0x2  }
0xbf: {  	s31 =	sshll.u32 s1, $0xD;
	s1 =	sshrl.u32 s1, $0x2  }
0xc0: {  	s3 =	sand.u32 $0x4000, s31;
	s1 =	sadd.s32 s1, s30  }
0xc1: {  	s0 =	sor.u32 s3, s0;
	s1 =	sshll.u32 s1, $0x11  }
0xc2: {  	s0 =	sor.u32 s1, s0  }
0xc3: {  	s0 =	sadd.s32 $0x8F2B, s0  }
0xc4: {  	[sflag:s0] =	ssyncadd.remote.s32 $0x1  }
0xc5: {  	_ =	sfence.sel $0xFFFF  }
0xc6: {  	[dreg:$0x0] =	wrdreg $0xFFFFFFFF;
	(pc) =	sbr.abs _section_cstart, $3  }
0xc7: {  	[dreg:$0x1] =	wrdreg $0xFFFFFFFF  }
0xc8: {  	_ =	task.clear_ibuf [dreg:s8], $0x2FFFF;
	_ =	strace $0x9FFFFFFF  }
0xc9: {  	(tm) =	ssettm $0x7FFFFFFF  }
tec
execute0_lowered:
.L_overlay_start_1:
0x0: {  	(tag) =	ssettag $0x1  }
0x1: {  	s2 =	srdreg.scid  }
0x2: {  	s1 =	rddreg [dreg:$0x0];
	s0 =	stileid.u32;
	s6 =	sand.u32 $0x1, s2  }
0x3: {  	s4 =	rddreg [dreg:$0x1];
	s30 =	sshll.u32 s0, $0x8;
	s3 =	sshll.u32 s6, $0x7  }
0x4: {  	s8 =	rddreg [dreg:$0x2];
	s9 =	sor.u32 s3, s30  }
0x5: {  	s2 =	rddreg [dreg:$0x3];
	s3 =	simm.s32 $0x0;
	s5 =	sshrl.u32 s9, $0x3  }
0x6: {  	s10 =	ssub.s32 $0x2, s6;
	[smem:$0x7FF] =	sst s3;
	s4 =	sadd.s32 s5, s4  }
0x7: {  	_ =	strace $0x80000047;
	s5 =	sadd.s32 $0x600, s4;
	s4 =	simm.s32 $0x2  }
0x8: {  	[tilespmem:s3], [sflag:$0x2] =	stream.linear.gather [hbm4b:s5+s3], $0x80, $0x38;
	[tilespmem:$0x1080] =	vst v63  }
0x9: {  	s11 =	sshrl.u32 s10, $0x1;
	_ =	swait.ge [sflag:s4], $0x80  }
0xa: {  	s7 =	simm.s32 $0x1;
	s10 =	ssub.s32 s10, s11;
	[sflag:s4] =	ssyncset.done $0x0  }
0xb: {  	s6 =	simm.s32 $0x80;
	s31 =	smax.u32 s10, $0x1;
	[sflag:s4] =	ssyncadd.s32 $0xFFFFFF80  }
0xc: {  	[tilespmem:s6], [sflag:$0x1] =	stream.indirect.gather [hbm4b:s1+s6], $0x20, s3, s6, $0xb8;
	[tilespmem:$0x1080] =	vst v63  }
0xd: {  	p0 =	sne.s32 s31, $0x1;
	_ =	swait.ge [sflag:s7], $0x1000  }
.Ltmp0:
0xe: {  	s9 =	sshll.u32 s9, $0x2;
	[sflag:s7] =	ssyncset.done $0x0;
	(pc) =	sbr.rel @!p0 .LBB2_2-.Ltmp0, $4  }
0xf: {  	s8 =	sadd.s32 s8, s9;
	[sflag:s7] =	ssyncadd.s32 $0xFFFFF000  }
0x10: {  	[hbm4b:s8+s3] =	stream.linear.scatter [tilespmem:s6], [sflag:$0x2], $0x1000, $0x38;
	[tilespmem:$0x1080] =	vst v63  }
0x11: {  	_ =	swait.ge [sflag:s4], $0x1000  }
0x12: {  	s9 =	sadd.s32 $0xFFFFFFFF, s31;
	[sflag:s4] =	ssyncset.done $0x0  }
.LBB2_1:
0x13: {  	p0 =	sne.s32 s9, $0x1;
	s9 =	sadd.s32 $0xFFFFFFFF, s9;
	[sflag:s4] =	ssyncadd.s32 $0xFFFFF000  }
0x14: {  	[tilespmem:s3], [sflag:$0x2] =	stream.linear.gather [hbm4b:s5+s3], $0x80, $0x38;
	[tilespmem:$0x1080] =	vst v63  }
0x15: {  	_ =	swait.ge [sflag:s4], $0x80  }
0x16: {  	[sflag:s4] =	ssyncset.done $0x0  }
0x17: {  	[sflag:s4] =	ssyncadd.s32 $0xFFFFFF80  }
0x18: {  	[tilespmem:s6], [sflag:$0x1] =	stream.indirect.gather [hbm4b:s1+s6], $0x20, s3, s6, $0xb8;
	[tilespmem:$0x1080] =	vst v63  }
0x19: {  	_ =	swait.ge [sflag:s7], $0x1000  }
.Ltmp1:
0x1a: {  	[sflag:s7] =	ssyncset.done $0x0;
	(pc) =	sbr.rel @p0 .LBB2_1-.Ltmp1, $4  }
0x1b: {  	[sflag:s7] =	ssyncadd.s32 $0xFFFFF000  }
0x1c: {  	[hbm4b:s8+s3] =	stream.linear.scatter [tilespmem:s6], [sflag:$0x2], $0x1000, $0x38;
	[tilespmem:$0x1080] =	vst v63  }
0x1d: {  	_ =	swait.ge [sflag:s4], $0x1000  }
0x1e: {  	[sflag:s4] =	ssyncset.done $0x0  }
.LBB2_2:
0x1f: {  	[sflag:s4] =	ssyncadd.s32 $0xFFFFF000  }
0x20: {  	_ =	sfence.sel $0x180000  }
0x21: {  	[bflag:$0x0] =	sbarrier.arrive $0xFFFF  }
0x22: {  	p0 =	sne.s32 s0, $0x0;
	_ =	strace $0x90000047  }
0x23: {  	s0 =	sadd.s32 @!p0 $0x100000, s2;
	[bflag:$0x2] =	sbarrier.arrive $0xFFFF  }
0x24: {  	[sflag:s0] =	ssyncadd.tile.s32 @!p0 $0x1;
	_ =	shalt  }
.Lfunc_end2:
_tile_overlayer_lowered:
.L_overlay_start_2:
0x25: {  	(tag) =	ssettag $0x2  }
0x26: {  	s0 =	rddreg [dreg:$0x0];
	s2 =	stileid.u32  }
0x27: {  	s1 =	rddreg [dreg:$0x1];
	p0 =	sne.s32 s2, $0x0  }
0x28: {  	s3 =	rddreg [dreg:$0x2];
	[bflag:$0x3] =	sbarrier.arrive $0xFFFF;
	s2 =	simm.s32 @!p0 $0x1C02  }
0x29: {  	[timem:s3], [sflag:s2] =	dma.local @!p0 [hbm:s0], s1  }
0x2a: {  	s0 =	simm.s32 @!p0 $0x2  }
0x2b: {  	_ =	swait.ge @!p0 [sflag:s0], s1  }
0x2c: {  	s1 =	ssub.s32 @!p0 $0x0, s1;
	[sflag:s0] =	ssyncset.done @!p0 $0x0  }
0x2d: {  	[sflag:s0] =	ssyncadd.s32 @!p0 s1  }
0x2e: {  	[bflag:$0x3] =	sbarrier.arrive $0xFFFF  }
0x2f: {  	_ =	shalt  }

</sc_bundles>
